<compile_context>
chip_gen: v7x
topology: tpu7x:2x2x1
jax: 0.10.2.dev20260603
libtpu: 0.0.44.dev20260713+nightly
codegen_flags: <defaults>
</compile_context>

<pallas_src>
import functools

import jax
import jax.numpy as jnp
from jax.experimental import pallas as pl
from jax.experimental.pallas import tpu as pltpu

_BUCKETS = 64
_DIM = 1024


def _fused_body(q_ref, k_ref, v_ref, w_ref, nk_ref, nv_ref, o_ref, *,
                h, hh, t, dh, buckets, bsz):
    neg = -jnp.finfo(jnp.float32).max
    is_rolled = (pl.program_id(0) % h) >= hh
    scale = float(_DIM) ** -0.5
    shift = bsz - 1

    def roll_fwd(x):
        return jnp.concatenate([x[shift:], x[:shift]], axis=0)

    q = q_ref[0]
    k = k_ref[0]
    v = v_ref[0]
    q = jnp.where(is_rolled, roll_fwd(q), q)
    k = jnp.where(is_rolled, roll_fwd(k), k)
    v = jnp.where(is_rolled, roll_fwd(v), v)

    kb = k.reshape(buckets, bsz, dh)
    vb = v.reshape(buckets, bsz, dh)
    qb = q.reshape(buckets, bsz, dh)

    bsums = jnp.sum(kb, axis=1)
    tri = (jax.lax.broadcasted_iota(jnp.int32, (buckets, buckets), 0)
           > jax.lax.broadcasted_iota(jnp.int32, (buckets, buckets), 1)
           ).astype(jnp.float32)
    excl = jnp.dot(tri, bsums, preferred_element_type=jnp.float32)
    firsts = kb[:, 0, :]
    pos = (jax.lax.broadcasted_iota(jnp.int32, (buckets, 1), 0) * bsz + 1
           ).astype(jnp.float32)
    x1 = (excl + firsts) / pos
    x = jnp.concatenate([x1, firsts], axis=1)

    r_raw = jnp.dot(x, w_ref[0], preferred_element_type=jnp.float32)
    r_act = jnp.where(r_raw >= 0, r_raw, 0.01 * r_raw)
    rows = jax.lax.broadcasted_iota(jnp.int32, (buckets, buckets + 1), 0)
    cols = jax.lax.broadcasted_iota(jnp.int32, (buckets, buckets + 1), 1)
    r_m = jnp.where(cols > rows, neg, r_act)
    r_m = r_m - jnp.max(r_m, axis=1, keepdims=True)
    r_e = jnp.exp(r_m)
    r_sm = r_e / jnp.sum(r_e, axis=1, keepdims=True)
    r_sm = jnp.where(cols <= rows - 1, r_sm, 0.0)

    mx_v = jnp.max(r_sm, axis=1, keepdims=True)
    top_v = jnp.min(jnp.where(r_sm == mx_v, cols, buckets + 1), axis=1,
                    keepdims=True)
    r_kept = jnp.where(cols == top_v, r_sm, 0.0)
    nk_tile = jnp.broadcast_to(nk_ref[0], (bsz, dh))
    nv_tile = jnp.broadcast_to(nv_ref[0], (bsz, dh))
    kv_ext_k = jnp.concatenate([nk_tile[None], kb], axis=0)
    kv_ext_v = jnp.concatenate([nv_tile[None], vb], axis=0)
    bkr = jax.lax.dot_general(
        r_kept, kv_ext_k, (((1,), (0,)), ((), ())),
        preferred_element_type=jnp.float32)
    bvr = jax.lax.dot_general(
        r_kept, kv_ext_v, (((1,), (0,)), ((), ())),
        preferred_element_type=jnp.float32)

    k2 = jnp.concatenate([bkr, kb], axis=1)
    v2 = jnp.concatenate([bvr, vb], axis=1)
    dots = jax.lax.dot_general(
        qb, k2, (((2,), (2,)), ((0,), (0,))),
        preferred_element_type=jnp.float32) * scale

    ii2 = jax.lax.broadcasted_iota(jnp.int32, (bsz, 2 * bsz), 0)
    jj2 = jax.lax.broadcasted_iota(jnp.int32, (bsz, 2 * bsz), 1)
    base2 = ~((jj2 >= bsz) & ((jj2 - bsz) > ii2))
    early2 = jj2 < bsz + 1
    special2 = ((ii2 == 0) & early2) | (base2 & ~early2)
    base_f = jnp.where(base2, 0.0, neg)
    special_f = jnp.where(special2, 0.0, neg)
    last_f = jnp.where(is_rolled, special_f, base_f)
    ub = jax.lax.broadcasted_iota(jnp.int32, (buckets, 1, 1), 0)
    mask3 = jnp.where(ub == buckets - 1, last_f[None], base_f[None])
    e = jnp.exp(dots + mask3)
    attn = e / jnp.sum(e, axis=2, keepdims=True)
    ob = jax.lax.dot_general(
        attn, v2, (((2,), (1,)), ((0,), (0,))),
        preferred_element_type=jnp.float32)

    o = ob.reshape(t, dh)
    o_roll = jnp.concatenate([o[t - shift:], o[:t - shift]], axis=0)
    o_ref[0] = jnp.where(is_rolled, o_roll, o)


def _identity3(i):
    return (i, 0, 0)


def kernel(q, k, v, null_keys, null_values, sort_linear):
    b, h, t, dh = q.shape
    buckets = _BUCKETS
    bsz = t // buckets
    hh = h // 2

    bh = b * h
    qf = q.reshape(bh, t, dh)
    kf = k.reshape(bh, t, dh)
    vf = v.reshape(bh, t, dh)
    w = sort_linear.reshape(h, 2 * dh, buckets + 1)
    nk = null_keys.reshape(h, 1, dh)
    nv = null_values.reshape(h, 1, dh)

    body = functools.partial(_fused_body, h=h, hh=hh, t=t, dh=dh,
                             buckets=buckets, bsz=bsz)
    return pl.pallas_call(
        body,
        grid=(bh,),
        in_specs=[
            pl.BlockSpec((1, t, dh), _identity3),
            pl.BlockSpec((1, t, dh), _identity3),
            pl.BlockSpec((1, t, dh), _identity3),
            pl.BlockSpec((1, 2 * dh, buckets + 1),
                         lambda i, h=h: (i % h, 0, 0)),
            pl.BlockSpec((1, 1, dh), lambda i, h=h: (i % h, 0, 0)),
            pl.BlockSpec((1, 1, dh), lambda i, h=h: (i % h, 0, 0)),
        ],
        out_specs=pl.BlockSpec((1, t, dh), _identity3),
        out_shape=jax.ShapeDtypeStruct((bh, t, dh), jnp.float32),
        compiler_params=pltpu.CompilerParams(
            dimension_semantics=("parallel",)),
    )(qf, kf, vf, w, nk, nv).reshape(b, h, t, dh)

# --- scband reference (transcript-rebuilt; emitter-appended) ---
"""Pipeline reference for scband-sinkhorn-causal-attention-21328807592573 (READ-ONLY COPY).

The authoritative reference and input builder live on the scoring server;
editing this copy changes nothing except your own understanding.
"""

import jax, jax.numpy as jnp
import numpy as np

BUCKETS = 64
DIM = 1024


def setup_inputs(seed: int = 0):
    key = jax.random.key(seed)
    ks = jax.random.split(key, 6)
    b, h, t, d_h = 2, 16, 4096, 64
    return {
        "q": jax.random.normal(ks[0], (b, h, t, d_h), jnp.float32),
        "k": jax.random.normal(ks[1], (b, h, t, d_h), jnp.float32),
        "v": jax.random.normal(ks[2], (b, h, t, d_h), jnp.float32),
        "null_keys": jax.random.normal(ks[3], (h, 1, d_h), jnp.float32),
        "null_values": jax.random.normal(ks[4], (h, 1, d_h), jnp.float32),
        "sort_linear": jax.random.normal(ks[5], (1, h, 2 * d_h, BUCKETS + 1), jnp.float32),
    }


def _forward(q, k, v, null_keys, null_values, sort_linear):
    b, h, t, d_h = q.shape
    buckets = BUCKETS
    d = DIM
    bh = b * h
    bsz = t // buckets
    hh = h // 2
    neg = -jnp.finfo(q.dtype).max

    # rotate_left second half of heads by bsz-1 along seq dim
    rot = lambda x: jnp.roll(x, -(bsz - 1), axis=2)
    q = jnp.concatenate([q[:, :hh], rot(q[:, hh:])], axis=1)
    k = jnp.concatenate([k[:, :hh], rot(k[:, hh:])], axis=1)
    v = jnp.concatenate([v[:, :hh], rot(v[:, hh:])], axis=1)

    q = q.reshape(bh, t, d_h)
    k = k.reshape(bh, t, d_h)
    v = v.reshape(bh, t, d_h)
    b_q = q.reshape(bh, buckets, bsz, d_h)
    b_k = k.reshape(bh, buckets, bsz, d_h)
    b_v = v.reshape(bh, buckets, bsz, d_h)

    # ---- CausalSimpleSortNet ----
    r = jnp.arange(1, t + 1, dtype=q.dtype)[None, :, None]
    k_cum = jnp.cumsum(k, axis=1) / r  # cumavg
    k_r = jnp.concatenate([k_cum, k], axis=-1).reshape(bh, buckets, bsz, 2 * d_h)
    x = k_r[:, :, 0]  # (bh, buckets, 2*d_h)
    W = jnp.broadcast_to(sort_linear, (b, h, 2 * d_h, buckets + 1)).reshape(bh, 2 * d_h, buckets + 1)
    R = jax.nn.leaky_relu(jnp.einsum('bud,bdk->buk', x, W), negative_slope=0.01)

    # mask_reordering_matrix
    rows = jnp.arange(buckets)[:, None]
    cols = jnp.arange(buckets + 1)[None, :]
    R = jnp.where(cols > rows, neg, R)
    R = jax.nn.softmax(R, axis=-1)
    R = jnp.where(cols <= rows - 1, R, 0.0)  # tril(diagonal=-1)

    # zero_all_but_top (k=1 along dim=2)
    top_idx = jnp.argmax(R, axis=2)
    R = jnp.where(jnp.arange(buckets + 1)[None, None, :] == top_idx[:, :, None], R, 0.0)

    b_null_k = jnp.broadcast_to(null_keys[None, :, None, :, :], (b, h, 1, bsz, d_h)).reshape(bh, 1, bsz, d_h)
    b_null_v = jnp.broadcast_to(null_values[None, :, None, :, :], (b, h, 1, bsz, d_h)).reshape(bh, 1, bsz, d_h)

    b_k_r = jnp.einsum('buv,bvtd->butd', R, jnp.concatenate([b_null_k, b_k], axis=1))
    b_v_r = jnp.einsum('buv,bvtd->butd', R, jnp.concatenate([b_null_v, b_v], axis=1))
    b_k2 = jnp.concatenate([b_k_r, b_k], axis=2)  # (bh, buckets, 2*bsz, d_h)
    b_v2 = jnp.concatenate([b_v_r, b_v], axis=2)

    dots = jnp.einsum('buie,buje->buij', b_q, b_k2) * (d ** -0.5)

    # causal block mask
    ii = jnp.arange(bsz)[:, None]
    jj = jnp.arange(2 * bsz)[None, :]
    base = ~((jj >= bsz) & ((jj - bsz) > ii))
    special = jnp.where(jj < bsz + 1, False, base)
    special = jnp.where((ii == 0) & (jj < bsz + 1), True, special)
    head_idx = jnp.arange(h)[:, None, None, None]
    bucket_idx = jnp.arange(buckets)[None, :, None, None]
    cond = (head_idx >= hh) & (bucket_idx == buckets - 1)
    mask = jnp.where(cond, special[None, None], base[None, None])
    mask = jnp.broadcast_to(mask[None], (b, h, buckets, bsz, 2 * bsz)).reshape(bh, buckets, bsz, 2 * bsz)

    dots = jnp.where(mask, dots, neg)
    attn = jax.nn.softmax(dots, axis=-1)
    out = jnp.einsum('buij,buje->buie', attn, b_v2)
    out = out.reshape(b, h, t, d_h)
    out = jnp.concatenate([out[:, :hh], jnp.roll(out[:, hh:], bsz - 1, axis=2)], axis=1)
    return out


def reference(q, k, v, null_keys, null_values, sort_linear):
    return _forward(q, k, v, null_keys, null_values, sort_linear)

if __name__ == "__main__":
    import jax
    _d = setup_inputs()
    print(jax.jit(kernel)(*tuple(_d.values())))

</pallas_src>

<mosaic_0001>
module attributes {stable_mosaic.version = 14 : i64} {
  func.func @_fused_body(%arg0: i32, %arg1: memref<1x4096x64xf32, #tpu.memory_space<vmem>>, %arg2: memref<1x4096x64xf32, #tpu.memory_space<vmem>>, %arg3: memref<1x4096x64xf32, #tpu.memory_space<vmem>>, %arg4: memref<1x128x65xf32, #tpu.memory_space<vmem>>, %arg5: memref<1x1x64xf32, #tpu.memory_space<vmem>>, %arg6: memref<1x1x64xf32, #tpu.memory_space<vmem>>, %arg7: memref<1x4096x64xf32, #tpu.memory_space<vmem>>) attributes {dimension_semantics = [#tpu.dimension_semantics<parallel>], iteration_bounds = array<i64: 32>, scalar_prefetch = 0 : i64, scratch_operands = 0 : i64, tpu.core_type = #tpu.core_type<tc>, window_params = [{transform_indices = @transform_0, window_bounds = array<i64: 1, 4096, 64>}, {transform_indices = @transform_1, window_bounds = array<i64: 1, 4096, 64>}, {transform_indices = @transform_2, window_bounds = array<i64: 1, 4096, 64>}, {transform_indices = @transform_3, window_bounds = array<i64: 1, 128, 65>}, {transform_indices = @transform_4, window_bounds = array<i64: 1, 1, 64>}, {transform_indices = @transform_5, window_bounds = array<i64: 1, 1, 64>}, {transform_indices = @transform_6, window_bounds = array<i64: 1, 4096, 64>}]} {
    %jit3A = arith.constant 16 : i32
    %eq3A = arith.constant 0 : i32
    %eq3A_0 = arith.cmpi eq, %jit3A, %eq3A : i32
    %jit3A_1 = arith.constant 1 : i32
    %select_n3A = arith.select %eq3A_0, %jit3A_1, %jit3A : i32
    %rem3A = arith.remsi %arg0, %select_n3A : i32
    %ne3A = arith.constant 0 : i32
    %ne3A_2 = arith.cmpi ne, %rem3A, %ne3A : i32
    %lt3A = arith.constant 0 : i32
    %lt3A_3 = arith.cmpi slt, %rem3A, %lt3A : i32
    %lt3A_4 = arith.constant 0 : i32
    %lt3A_5 = arith.cmpi slt, %select_n3A, %lt3A_4 : i32
    %ne3A_6 = arith.xori %lt3A_3, %lt3A_5 : i1
    %and3A = arith.andi %ne3A_6, %ne3A_2 : i1
    %add3A = arith.addi %rem3A, %select_n3A : i32
    %select_n3A_7 = arith.select %and3A, %add3A, %rem3A : i32
    %ge3A = arith.constant 8 : i32
    %ge3A_8 = arith.cmpi sge, %select_n3A_7, %ge3A : i32
    %get3A = arith.constant 0 : index
    %get3A_9 = arith.constant 0 : index
    %get3A_10 = arith.constant 0 : index
    %get3A_11 = vector.load %arg1[%get3A, %get3A_9, %get3A_10] : memref<1x4096x64xf32, #tpu.memory_space<vmem>>, vector<1x4096x64xf32>
    %get3A_12 = vector.shape_cast %get3A_11 : vector<1x4096x64xf32> to vector<4096x64xf32>
    %get3A_13 = arith.constant 0 : index
    %get3A_14 = arith.constant 0 : index
    %get3A_15 = arith.constant 0 : index
    %get3A_16 = vector.load %arg2[%get3A_13, %get3A_14, %get3A_15] : memref<1x4096x64xf32, #tpu.memory_space<vmem>>, vector<1x4096x64xf32>
    %get3A_17 = vector.shape_cast %get3A_16 : vector<1x4096x64xf32> to vector<4096x64xf32>
    %get3A_18 = arith.constant 0 : index
    %get3A_19 = arith.constant 0 : index
    %get3A_20 = arith.constant 0 : index
    %get3A_21 = vector.load %arg3[%get3A_18, %get3A_19, %get3A_20] : memref<1x4096x64xf32, #tpu.memory_space<vmem>>, vector<1x4096x64xf32>
    %get3A_22 = vector.shape_cast %get3A_21 : vector<1x4096x64xf32> to vector<4096x64xf32>
    %slice3A = vector.extract_strided_slice %get3A_12 {offsets = [63, 0], sizes = [4033, 64], strides = [1, 1]} : vector<4096x64xf32> to vector<4033x64xf32>
    %slice3A_23 = vector.extract_strided_slice %get3A_12 {offsets = [0, 0], sizes = [63, 64], strides = [1, 1]} : vector<4096x64xf32> to vector<63x64xf32>
    %concatenate3A = tpu.concatenate %slice3A, %slice3A_23 in 0 : vector<4033x64xf32>, vector<63x64xf32> -> vector<4096x64xf32>
    %select_n3A_24 = arith.select %ge3A_8, %concatenate3A, %get3A_12 : vector<4096x64xf32>
    %slice3A_25 = vector.extract_strided_slice %get3A_17 {offsets = [63, 0], sizes = [4033, 64], strides = [1, 1]} : vector<4096x64xf32> to vector<4033x64xf32>
    %slice3A_26 = vector.extract_strided_slice %get3A_17 {offsets = [0, 0], sizes = [63, 64], strides = [1, 1]} : vector<4096x64xf32> to vector<63x64xf32>
    %concatenate3A_27 = tpu.concatenate %slice3A_25, %slice3A_26 in 0 : vector<4033x64xf32>, vector<63x64xf32> -> vector<4096x64xf32>
    %select_n3A_28 = arith.select %ge3A_8, %concatenate3A_27, %get3A_17 : vector<4096x64xf32>
    %slice3A_29 = vector.extract_strided_slice %get3A_22 {offsets = [63, 0], sizes = [4033, 64], strides = [1, 1]} : vector<4096x64xf32> to vector<4033x64xf32>
    %slice3A_30 = vector.extract_strided_slice %get3A_22 {offsets = [0, 0], sizes = [63, 64], strides = [1, 1]} : vector<4096x64xf32> to vector<63x64xf32>
    %concatenate3A_31 = tpu.concatenate %slice3A_29, %slice3A_30 in 0 : vector<4033x64xf32>, vector<63x64xf32> -> vector<4096x64xf32>
    %select_n3A_32 = arith.select %ge3A_8, %concatenate3A_31, %get3A_22 : vector<4096x64xf32>
    %reshape3A = vector.shape_cast %select_n3A_28 : vector<4096x64xf32> to vector<64x64x64xf32>
    %reshape3A_33 = vector.shape_cast %select_n3A_32 : vector<4096x64xf32> to vector<64x64x64xf32>
    %reshape3A_34 = vector.shape_cast %select_n3A_24 : vector<4096x64xf32> to vector<64x64x64xf32>
    %reduce_sum3A = arith.constant dense<0.000000e+00> : vector<64x64xf32>
    %reduce_sum3A_35 = vector.multi_reduction <add>, %reshape3A, %reduce_sum3A [1] : vector<64x64x64xf32> to vector<64x64xf32>
    %iota3A = tpu.iota {dimensions = array<i32: 0>} : vector<64x64xi32>
    %iota3A_36 = tpu.iota {dimensions = array<i32: 1>} : vector<64x64xi32>
    %gt3A = arith.cmpi sgt, %iota3A, %iota3A_36 : vector<64x64xi32>
    %convert_element_type3A = arith.extui %gt3A : vector<64x64xi1> to vector<64x64xi32>
    %convert_element_type3A_37 = arith.sitofp %convert_element_type3A : vector<64x64xi32> to vector<64x64xf32>
    %dot_general3A = arith.constant dense<0.000000e+00> : vector<64x64xf32>
    %dot_general3A_38 = tpu.matmul %convert_element_type3A_37, %reduce_sum3A_35, %dot_general3A {dimension_numbers = #tpu.dot_dimension_numbers<[1], [0], [0], [1], [0, 0, 1, 1], [], []>, transpose_lhs_hint = false} : vector<64x64xf32>, vector<64x64xf32>, vector<64x64xf32> -> vector<64x64xf32>
    %slice3A_39 = vector.extract_strided_slice %reshape3A {offsets = [0, 0, 0], sizes = [64, 1, 64], strides = [1, 1, 1]} : vector<64x64x64xf32> to vector<64x1x64xf32>
    %squeeze3A = vector.shape_cast %slice3A_39 : vector<64x1x64xf32> to vector<64x64xf32>
    %iota3A_40 = tpu.iota {dimensions = array<i32: 0>} : vector<64x1xi32>
    %mul3A = arith.constant 64 : i32
    %mul3A_41 = vector.broadcast %mul3A : i32 to vector<64x1xi32>
    %mul3A_42 = arith.muli %iota3A_40, %mul3A_41 : vector<64x1xi32>
    %add3A_43 = arith.constant 1 : i32
    %add3A_44 = vector.broadcast %add3A_43 : i32 to vector<64x1xi32>
    %add3A_45 = arith.addi %mul3A_42, %add3A_44 : vector<64x1xi32>
    %convert_element_type3A_46 = arith.sitofp %add3A_45 : vector<64x1xi32> to vector<64x1xf32>
    %add3A_47 = arith.addf %dot_general3A_38, %squeeze3A : vector<64x64xf32>
    %div3A = vector.broadcast %convert_element_type3A_46 : vector<64x1xf32> to vector<64x64xf32>
    %div3A_48 = arith.divf %add3A_47, %div3A : vector<64x64xf32>
    %concatenate3A_49 = tpu.concatenate %div3A_48, %squeeze3A in 1 : vector<64x64xf32>, vector<64x64xf32> -> vector<64x128xf32>
    %get3A_50 = arith.constant 0 : index
    %get3A_51 = arith.constant 0 : index
    %get3A_52 = arith.constant 0 : index
    %get3A_53 = vector.load %arg4[%get3A_50, %get3A_51, %get3A_52] : memref<1x128x65xf32, #tpu.memory_space<vmem>>, vector<1x128x65xf32>
    %get3A_54 = vector.shape_cast %get3A_53 : vector<1x128x65xf32> to vector<128x65xf32>
    %dot_general3A_55 = arith.constant dense<0.000000e+00> : vector<64x65xf32>
    %dot_general3A_56 = tpu.matmul %concatenate3A_49, %get3A_54, %dot_general3A_55 {dimension_numbers = #tpu.dot_dimension_numbers<[1], [0], [0], [1], [0, 0, 1, 1], [], []>, transpose_lhs_hint = false} : vector<64x128xf32>, vector<128x65xf32>, vector<64x65xf32> -> vector<64x65xf32>
    %ge3A_57 = arith.constant 0.000000e+00 : f32
    %ge3A_58 = vector.broadcast %ge3A_57 : f32 to vector<64x65xf32>
    %ge3A_59 = arith.cmpf oge, %dot_general3A_56, %ge3A_58 : vector<64x65xf32>
    %mul3A_60 = arith.constant 0.00999999977 : f32
    %mul3A_61 = vector.broadcast %mul3A_60 : f32 to vector<64x65xf32>
    %mul3A_62 = arith.mulf %mul3A_61, %dot_general3A_56 : vector<64x65xf32>
    %select_n3A_63 = arith.select %ge3A_59, %dot_general3A_56, %mul3A_62 : vector<64x65xi1>, vector<64x65xf32>
    %iota3A_64 = tpu.iota {dimensions = array<i32: 0>} : vector<64x65xi32>
    %iota3A_65 = tpu.iota {dimensions = array<i32: 1>} : vector<64x65xi32>
    %gt3A_66 = arith.cmpi sgt, %iota3A_65, %iota3A_64 : vector<64x65xi32>
    %jit3A_67 = arith.constant -3.40282347E+38 : f32
    %broadcast_in_dim3A = vector.broadcast %jit3A_67 : f32 to vector<64x65xf32>
    %select_n3A_68 = arith.select %gt3A_66, %broadcast_in_dim3A, %select_n3A_63 : vector<64x65xi1>, vector<64x65xf32>
    %reduce_max3A = arith.constant dense<0xFF800000> : vector<64xf32>
    %reduce_max3A_69 = vector.multi_reduction <maximumf>, %select_n3A_68, %reduce_max3A [1] : vector<64x65xf32> to vector<64xf32>
    %broadcast_in_dim3A_70 = vector.shape_cast %reduce_max3A_69 : vector<64xf32> to vector<64x1xf32>
    %sub3A = vector.broadcast %broadcast_in_dim3A_70 : vector<64x1xf32> to vector<64x65xf32>
    %sub3A_71 = arith.subf %select_n3A_68, %sub3A : vector<64x65xf32>
    %exp3A = math.exp %sub3A_71 : vector<64x65xf32>
    %reduce_sum3A_72 = arith.constant dense<0.000000e+00> : vector<64xf32>
    %reduce_sum3A_73 = vector.multi_reduction <add>, %exp3A, %reduce_sum3A_72 [1] : vector<64x65xf32> to vector<64xf32>
    %broadcast_in_dim3A_74 = vector.shape_cast %reduce_sum3A_73 : vector<64xf32> to vector<64x1xf32>
    %div3A_75 = vector.broadcast %broadcast_in_dim3A_74 : vector<64x1xf32> to vector<64x65xf32>
    %div3A_76 = arith.divf %exp3A, %div3A_75 : vector<64x65xf32>
    %sub3A_77 = arith.constant 1 : i32
    %sub3A_78 = vector.broadcast %sub3A_77 : i32 to vector<64x65xi32>
    %sub3A_79 = arith.subi %iota3A_64, %sub3A_78 : vector<64x65xi32>
    %le3A = arith.cmpi sle, %iota3A_65, %sub3A_79 : vector<64x65xi32>
    %jit3A_80 = arith.constant 0.000000e+00 : f32
    %broadcast_in_dim3A_81 = vector.broadcast %jit3A_80 : f32 to vector<64x65xf32>
    %select_n3A_82 = arith.select %le3A, %div3A_76, %broadcast_in_dim3A_81 : vector<64x65xi1>, vector<64x65xf32>
    %reduce_max3A_83 = arith.constant dense<0xFF800000> : vector<64xf32>
    %reduce_max3A_84 = vector.multi_reduction <maximumf>, %select_n3A_82, %reduce_max3A_83 [1] : vector<64x65xf32> to vector<64xf32>
    %broadcast_in_dim3A_85 = vector.shape_cast %reduce_max3A_84 : vector<64xf32> to vector<64x1xf32>
    %eq3A_86 = vector.broadcast %broadcast_in_dim3A_85 : vector<64x1xf32> to vector<64x65xf32>
    %eq3A_87 = arith.cmpf oeq, %select_n3A_82, %eq3A_86 : vector<64x65xf32>
    %jit3A_88 = arith.constant 65 : i32
    %broadcast_in_dim3A_89 = vector.broadcast %jit3A_88 : i32 to vector<64x65xi32>
    %select_n3A_90 = arith.select %eq3A_87, %iota3A_65, %broadcast_in_dim3A_89 : vector<64x65xi1>, vector<64x65xi32>
    %reduce_min3A = arith.constant dense<2147483647> : vector<64xi32>
    %reduce_min3A_91 = vector.multi_reduction <minsi>, %select_n3A_90, %reduce_min3A [1] : vector<64x65xi32> to vector<64xi32>
    %broadcast_in_dim3A_92 = vector.shape_cast %reduce_min3A_91 : vector<64xi32> to vector<64x1xi32>
    %eq3A_93 = vector.broadcast %broadcast_in_dim3A_92 : vector<64x1xi32> to vector<64x65xi32>
    %eq3A_94 = arith.cmpi eq, %iota3A_65, %eq3A_93 : vector<64x65xi32>
    %jit3A_95 = arith.constant 0.000000e+00 : f32
    %broadcast_in_dim3A_96 = vector.broadcast %jit3A_95 : f32 to vector<64x65xf32>
    %select_n3A_97 = arith.select %eq3A_94, %select_n3A_82, %broadcast_in_dim3A_96 : vector<64x65xi1>, vector<64x65xf32>
    %get3A_98 = arith.constant 0 : index
    %get3A_99 = arith.constant 0 : index
    %get3A_100 = arith.constant 0 : index
    %get3A_101 = vector.load %arg5[%get3A_98, %get3A_99, %get3A_100] : memref<1x1x64xf32, #tpu.memory_space<vmem>>, vector<1x1x64xf32>
    %get3A_102 = vector.shape_cast %get3A_101 : vector<1x1x64xf32> to vector<1x64xf32>
    %broadcast_in_dim3A_103 = vector.shape_cast %get3A_102 : vector<1x64xf32> to vector<1x64xf32>
    %broadcast_in_dim3A_104 = vector.broadcast %broadcast_in_dim3A_103 : vector<1x64xf32> to vector<64x64xf32>
    %get3A_105 = arith.constant 0 : index
    %get3A_106 = arith.constant 0 : index
    %get3A_107 = arith.constant 0 : index
    %get3A_108 = vector.load %arg6[%get3A_105, %get3A_106, %get3A_107] : memref<1x1x64xf32, #tpu.memory_space<vmem>>, vector<1x1x64xf32>
    %get3A_109 = vector.shape_cast %get3A_108 : vector<1x1x64xf32> to vector<1x64xf32>
    %broadcast_in_dim3A_110 = vector.shape_cast %get3A_109 : vector<1x64xf32> to vector<1x64xf32>
    %broadcast_in_dim3A_111 = vector.broadcast %broadcast_in_dim3A_110 : vector<1x64xf32> to vector<64x64xf32>
    %broadcast_in_dim3A_112 = vector.shape_cast %broadcast_in_dim3A_104 : vector<64x64xf32> to vector<1x64x64xf32>
    %concatenate3A_113 = tpu.concatenate %broadcast_in_dim3A_112, %reshape3A in 0 : vector<1x64x64xf32>, vector<64x64x64xf32> -> vector<65x64x64xf32>
    %broadcast_in_dim3A_114 = vector.shape_cast %broadcast_in_dim3A_111 : vector<64x64xf32> to vector<1x64x64xf32>
    %concatenate3A_115 = tpu.concatenate %broadcast_in_dim3A_114, %reshape3A_33 in 0 : vector<1x64x64xf32>, vector<64x64x64xf32> -> vector<65x64x64xf32>
    %dot_general3A_116 = arith.constant dense<0.000000e+00> : vector<64x64x64xf32>
    %dot_general3A_117 = tpu.matmul %select_n3A_97, %concatenate3A_113, %dot_general3A_116 {dimension_numbers = #tpu.dot_dimension_numbers<[1], [0], [0], [1, 2], [0, 0, 1, 1, 1, 2], [], []>, transpose_lhs_hint = false} : vector<64x65xf32>, vector<65x64x64xf32>, vector<64x64x64xf32> -> vector<64x64x64xf32>
    %dot_general3A_118 = arith.constant dense<0.000000e+00> : vector<64x64x64xf32>
    %dot_general3A_119 = tpu.matmul %select_n3A_97, %concatenate3A_115, %dot_general3A_118 {dimension_numbers = #tpu.dot_dimension_numbers<[1], [0], [0], [1, 2], [0, 0, 1, 1, 1, 2], [], []>, transpose_lhs_hint = false} : vector<64x65xf32>, vector<65x64x64xf32>, vector<64x64x64xf32> -> vector<64x64x64xf32>
    %concatenate3A_120 = tpu.concatenate %dot_general3A_117, %reshape3A in 1 : vector<64x64x64xf32>, vector<64x64x64xf32> -> vector<64x128x64xf32>
    %concatenate3A_121 = tpu.concatenate %dot_general3A_119, %reshape3A_33 in 1 : vector<64x64x64xf32>, vector<64x64x64xf32> -> vector<64x128x64xf32>
    %dot_general3A_122 = arith.constant dense<0.000000e+00> : vector<64x64x128xf32>
    %dot_general3A_123 = tpu.matmul %reshape3A_34, %concatenate3A_120, %dot_general3A_122 {dimension_numbers = #tpu.dot_dimension_numbers<[2], [2], [1], [1], [0, 0, 0, 1, 1, 1], [0], [0]>, transpose_lhs_hint = false} : vector<64x64x64xf32>, vector<64x128x64xf32>, vector<64x64x128xf32> -> vector<64x64x128xf32>
    %mul3A_124 = arith.constant 3.125000e-02 : f32
    %mul3A_125 = vector.broadcast %mul3A_124 : f32 to vector<64x64x128xf32>
    %mul3A_126 = arith.mulf %dot_general3A_123, %mul3A_125 : vector<64x64x128xf32>
    %iota3A_127 = tpu.iota {dimensions = array<i32: 0>} : vector<64x128xi32>
    %iota3A_128 = tpu.iota {dimensions = array<i32: 1>} : vector<64x128xi32>
    %ge3A_129 = arith.constant 64 : i32
    %ge3A_130 = vector.broadcast %ge3A_129 : i32 to vector<64x128xi32>
    %ge3A_131 = arith.cmpi sge, %iota3A_128, %ge3A_130 : vector<64x128xi32>
    %sub3A_132 = arith.constant 64 : i32
    %sub3A_133 = vector.broadcast %sub3A_132 : i32 to vector<64x128xi32>
    %sub3A_134 = arith.subi %iota3A_128, %sub3A_133 : vector<64x128xi32>
    %gt3A_135 = arith.cmpi sgt, %sub3A_134, %iota3A_127 : vector<64x128xi32>
    %and3A_136 = arith.andi %ge3A_131, %gt3A_135 : vector<64x128xi1>
    %not3A = arith.constant dense<true> : vector<64x128xi1>
    %not3A_137 = arith.xori %and3A_136, %not3A : vector<64x128xi1>
    %lt3A_138 = arith.constant 65 : i32
    %lt3A_139 = vector.broadcast %lt3A_138 : i32 to vector<64x128xi32>
    %lt3A_140 = arith.cmpi slt, %iota3A_128, %lt3A_139 : vector<64x128xi32>
    %eq3A_141 = arith.constant 0 : i32
    %eq3A_142 = vector.broadcast %eq3A_141 : i32 to vector<64x128xi32>
    %eq3A_143 = arith.cmpi eq, %iota3A_127, %eq3A_142 : vector<64x128xi32>
    %and3A_144 = arith.andi %eq3A_143, %lt3A_140 : vector<64x128xi1>
    %not3A_145 = arith.constant dense<true> : vector<64x128xi1>
    %not3A_146 = arith.xori %lt3A_140, %not3A_145 : vector<64x128xi1>
    %and3A_147 = arith.andi %not3A_137, %not3A_146 : vector<64x128xi1>
    %or3A = arith.ori %and3A_144, %and3A_147 : vector<64x128xi1>
    %jit3A_148 = arith.constant 0.000000e+00 : f32
    %jit3A_149 = arith.constant -3.40282347E+38 : f32
    %broadcast_in_dim3A_150 = vector.broadcast %jit3A_148 : f32 to vector<64x128xf32>
    %broadcast_in_dim3A_151 = vector.broadcast %jit3A_149 : f32 to vector<64x128xf32>
    %select_n3A_152 = arith.select %not3A_137, %broadcast_in_dim3A_150, %broadcast_in_dim3A_151 : vector<64x128xi1>, vector<64x128xf32>
    %jit3A_153 = arith.constant 0.000000e+00 : f32
    %jit3A_154 = arith.constant -3.40282347E+38 : f32
    %broadcast_in_dim3A_155 = vector.broadcast %jit3A_153 : f32 to vector<64x128xf32>
    %broadcast_in_dim3A_156 = vector.broadcast %jit3A_154 : f32 to vector<64x128xf32>
    %select_n3A_157 = arith.select %or3A, %broadcast_in_dim3A_155, %broadcast_in_dim3A_156 : vector<64x128xi1>, vector<64x128xf32>
    %select_n3A_158 = arith.select %ge3A_8, %select_n3A_157, %select_n3A_152 : vector<64x128xf32>
    %iota3A_159 = tpu.iota {dimensions = array<i32: 0>} : vector<64x1x1xi32>
    %eq3A_160 = arith.constant 63 : i32
    %eq3A_161 = vector.broadcast %eq3A_160 : i32 to vector<64x1x1xi32>
    %eq3A_162 = arith.cmpi eq, %iota3A_159, %eq3A_161 : vector<64x1x1xi32>
    %broadcast_in_dim3A_163 = vector.shape_cast %select_n3A_158 : vector<64x128xf32> to vector<1x64x128xf32>
    %broadcast_in_dim3A_164 = vector.shape_cast %select_n3A_152 : vector<64x128xf32> to vector<1x64x128xf32>
    %broadcast_in_dim3A_165 = vector.shape_cast %eq3A_162 : vector<64x1x1xi1> to vector<64x1x1xi1>
    %broadcast_in_dim3A_166 = vector.broadcast %broadcast_in_dim3A_165 : vector<64x1x1xi1> to vector<64x64x128xi1>
    %broadcast_in_dim3A_167 = vector.shape_cast %broadcast_in_dim3A_163 : vector<1x64x128xf32> to vector<1x64x128xf32>
    %broadcast_in_dim3A_168 = vector.broadcast %broadcast_in_dim3A_167 : vector<1x64x128xf32> to vector<64x64x128xf32>
    %broadcast_in_dim3A_169 = vector.shape_cast %broadcast_in_dim3A_164 : vector<1x64x128xf32> to vector<1x64x128xf32>
    %broadcast_in_dim3A_170 = vector.broadcast %broadcast_in_dim3A_169 : vector<1x64x128xf32> to vector<64x64x128xf32>
    %select_n3A_171 = arith.select %broadcast_in_dim3A_166, %broadcast_in_dim3A_168, %broadcast_in_dim3A_170 : vector<64x64x128xi1>, vector<64x64x128xf32>
    %add3A_172 = arith.addf %mul3A_126, %select_n3A_171 : vector<64x64x128xf32>
    %exp3A_173 = math.exp %add3A_172 : vector<64x64x128xf32>
    %reduce_sum3A_174 = arith.constant dense<0.000000e+00> : vector<64x64xf32>
    %reduce_sum3A_175 = vector.multi_reduction <add>, %exp3A_173, %reduce_sum3A_174 [2] : vector<64x64x128xf32> to vector<64x64xf32>
    %broadcast_in_dim3A_176 = vector.shape_cast %reduce_sum3A_175 : vector<64x64xf32> to vector<64x64x1xf32>
    %div3A_177 = vector.broadcast %broadcast_in_dim3A_176 : vector<64x64x1xf32> to vector<64x64x128xf32>
    %div3A_178 = arith.divf %exp3A_173, %div3A_177 : vector<64x64x128xf32>
    %dot_general3A_179 = arith.constant dense<0.000000e+00> : vector<64x64x64xf32>
    %dot_general3A_180 = tpu.matmul %div3A_178, %concatenate3A_121, %dot_general3A_179 {dimension_numbers = #tpu.dot_dimension_numbers<[2], [1], [1], [2], [0, 0, 0, 1, 1, 2], [0], [0]>, transpose_lhs_hint = false} : vector<64x64x128xf32>, vector<64x128x64xf32>, vector<64x64x64xf32> -> vector<64x64x64xf32>
    %reshape3A_181 = vector.shape_cast %dot_general3A_180 : vector<64x64x64xf32> to vector<4096x64xf32>
    %slice3A_182 = vector.extract_strided_slice %reshape3A_181 {offsets = [4033, 0], sizes = [63, 64], strides = [1, 1]} : vector<4096x64xf32> to vector<63x64xf32>
    %slice3A_183 = vector.extract_strided_slice %reshape3A_181 {offsets = [0, 0], sizes = [4033, 64], strides = [1, 1]} : vector<4096x64xf32> to vector<4033x64xf32>
    %concatenate3A_184 = tpu.concatenate %slice3A_182, %slice3A_183 in 0 : vector<63x64xf32>, vector<4033x64xf32> -> vector<4096x64xf32>
    %select_n3A_185 = arith.select %ge3A_8, %concatenate3A_184, %reshape3A_181 : vector<4096x64xf32>
    %swap3A = arith.constant 0 : index
    %swap3A_186 = arith.constant 0 : index
    %swap3A_187 = arith.constant 0 : index
    %swap3A_188 = vector.load %arg7[%swap3A, %swap3A_186, %swap3A_187] : memref<1x4096x64xf32, #tpu.memory_space<vmem>>, vector<1x4096x64xf32>
    %swap3A_189 = vector.shape_cast %swap3A_188 : vector<1x4096x64xf32> to vector<4096x64xf32>
    %swap3A_190 = vector.shape_cast %select_n3A_185 : vector<4096x64xf32> to vector<1x4096x64xf32>
    tpu.vector_store %arg7[%swap3A, %swap3A_186, %swap3A_187], %swap3A_190 {strides = array<i32>} : memref<1x4096x64xf32, #tpu.memory_space<vmem>>, vector<1x4096x64xf32>,
    return
  }
  func.func @transform_0(%arg0: i32) -> (i32, i32, i32) {
    %c0_i32 = arith.constant 0 : i32
    %c0_i32_0 = arith.constant 0 : i32
    %c0_i32_1 = arith.constant 0 : i32
    return %arg0, %c0_i32, %c0_i32_0 : i32, i32, i32
  }
  func.func @transform_1(%arg0: i32) -> (i32, i32, i32) {
    %c0_i32 = arith.constant 0 : i32
    %c0_i32_0 = arith.constant 0 : i32
    %c0_i32_1 = arith.constant 0 : i32
    return %arg0, %c0_i32, %c0_i32_0 : i32, i32, i32
  }
  func.func @transform_2(%arg0: i32) -> (i32, i32, i32) {
    %c0_i32 = arith.constant 0 : i32
    %c0_i32_0 = arith.constant 0 : i32
    %c0_i32_1 = arith.constant 0 : i32
    return %arg0, %c0_i32, %c0_i32_0 : i32, i32, i32
  }
  func.func @transform_3(%arg0: i32) -> (i32, i32, i32) {
    %jit3A = arith.constant 16 : i32
    %eq3A = arith.constant 0 : i32
    %eq3A_0 = arith.cmpi eq, %jit3A, %eq3A : i32
    %jit3A_1 = arith.constant 1 : i32
    %select_n3A = arith.select %eq3A_0, %jit3A_1, %jit3A : i32
    %rem3A = arith.remsi %arg0, %select_n3A : i32
    %ne3A = arith.constant 0 : i32
    %ne3A_2 = arith.cmpi ne, %rem3A, %ne3A : i32
    %lt3A = arith.constant 0 : i32
    %lt3A_3 = arith.cmpi slt, %rem3A, %lt3A : i32
    %lt3A_4 = arith.constant 0 : i32
    %lt3A_5 = arith.cmpi slt, %select_n3A, %lt3A_4 : i32
    %ne3A_6 = arith.xori %lt3A_3, %lt3A_5 : i1
    %and3A = arith.andi %ne3A_6, %ne3A_2 : i1
    %add3A = arith.addi %rem3A, %select_n3A : i32
    %select_n3A_7 = arith.select %and3A, %add3A, %rem3A : i32
    %c0_i32 = arith.constant 0 : i32
    %c0_i32_8 = arith.constant 0 : i32
    %c0_i32_9 = arith.constant 0 : i32
    return %select_n3A_7, %c0_i32, %c0_i32_8 : i32, i32, i32
  }
  func.func @transform_4(%arg0: i32) -> (i32, i32, i32) {
    %jit3A = arith.constant 16 : i32
    %eq3A = arith.constant 0 : i32
    %eq3A_0 = arith.cmpi eq, %jit3A, %eq3A : i32
    %jit3A_1 = arith.constant 1 : i32
    %select_n3A = arith.select %eq3A_0, %jit3A_1, %jit3A : i32
    %rem3A = arith.remsi %arg0, %select_n3A : i32
    %ne3A = arith.constant 0 : i32
    %ne3A_2 = arith.cmpi ne, %rem3A, %ne3A : i32
    %lt3A = arith.constant 0 : i32
    %lt3A_3 = arith.cmpi slt, %rem3A, %lt3A : i32
    %lt3A_4 = arith.constant 0 : i32
    %lt3A_5 = arith.cmpi slt, %select_n3A, %lt3A_4 : i32
    %ne3A_6 = arith.xori %lt3A_3, %lt3A_5 : i1
    %and3A = arith.andi %ne3A_6, %ne3A_2 : i1
    %add3A = arith.addi %rem3A, %select_n3A : i32
    %select_n3A_7 = arith.select %and3A, %add3A, %rem3A : i32
    %c0_i32 = arith.constant 0 : i32
    %c0_i32_8 = arith.constant 0 : i32
    %c0_i32_9 = arith.constant 0 : i32
    return %select_n3A_7, %c0_i32, %c0_i32_8 : i32, i32, i32
  }
  func.func @transform_5(%arg0: i32) -> (i32, i32, i32) {
    %jit3A = arith.constant 16 : i32
    %eq3A = arith.constant 0 : i32
    %eq3A_0 = arith.cmpi eq, %jit3A, %eq3A : i32
    %jit3A_1 = arith.constant 1 : i32
    %select_n3A = arith.select %eq3A_0, %jit3A_1, %jit3A : i32
    %rem3A = arith.remsi %arg0, %select_n3A : i32
    %ne3A = arith.constant 0 : i32
    %ne3A_2 = arith.cmpi ne, %rem3A, %ne3A : i32
    %lt3A = arith.constant 0 : i32
    %lt3A_3 = arith.cmpi slt, %rem3A, %lt3A : i32
    %lt3A_4 = arith.constant 0 : i32
    %lt3A_5 = arith.cmpi slt, %select_n3A, %lt3A_4 : i32
    %ne3A_6 = arith.xori %lt3A_3, %lt3A_5 : i1
    %and3A = arith.andi %ne3A_6, %ne3A_2 : i1
    %add3A = arith.addi %rem3A, %select_n3A : i32
    %select_n3A_7 = arith.select %and3A, %add3A, %rem3A : i32
    %c0_i32 = arith.constant 0 : i32
    %c0_i32_8 = arith.constant 0 : i32
    %c0_i32_9 = arith.constant 0 : i32
    return %select_n3A_7, %c0_i32, %c0_i32_8 : i32, i32, i32
  }
  func.func @transform_6(%arg0: i32) -> (i32, i32, i32) {
    %c0_i32 = arith.constant 0 : i32
    %c0_i32_0 = arith.constant 0 : i32
    %c0_i32_1 = arith.constant 0 : i32
    return %arg0, %c0_i32, %c0_i32_0 : i32, i32, i32
  }
}

</mosaic_0001>

<sc_bundles>
// kernel: sparse-core-data-format-call.cloned.1.call-start
scs
called_computation_lowered:
.L_overlay_start_0:
0x0: {  	s2 =	sld [smem:$0x3FD9]  }
0x1: {  	s3 =	sld [smem:$0x3FFE];
	_ =	sdelay $0x1  }
0x2: {  	s1 =	srdreg.scid  }
0x3: {  	s0 =	sand.u32 $0x1, s1  }
0x4: {  	s18 =	sshll.u32 s0, $0xA;
	s2 =	sadd.s32 s3, s2  }
0x5: {  	s2 =	sadd.s32 s2, s18  }
0x6: {  	[smem:$0x3FC2] =	sst s2  }
0x7: {  	_ = 	snop  }
0x8: {  	s2 =	sld [smem:$0x3FD0];
	(tm) =	ssettm $0x1  }
0x9: {  	s19 =	sld [smem:$0x3FFB];
	_ =	sdelay $0x3  }
0xa: {  	_ =	strace s19  }
0xb: {  	s3 =	sld [smem:$0x3FFC];
	_ =	sdelay $0x3  }
0xc: {  	_ =	strace s3  }
0xd: {  	s3 =	sld [smem:$0x3FFD];
	_ =	sdelay $0x3  }
0xe: {  	_ =	strace s3  }
0xf: {  	_ =	strace $0x8FFFFFFF  }
0x10: {  	s20 =	sld [smem:$0x3FDB];
	_ =	sdelay $0x1  }
0x11: {  	s4 =	simm.s32 $_scs_section_size  }
0x12: {  	s5 =	simm.s32 $_size__tile_overlayer_lowered;
	s6 =	simm.s32 $_tile_overlayer_lowered  }
0x13: {  	s23 =	simm.s32 $0x1BFF;
	s22 =	sshll.u32 s6, $0x1;
	s3 =	sadd.s32 s4, s20  }
0x14: {  	s7 =	simm.s32 $0x0;
	s21 =	sshll.u32 s5, $0x1;
	s5 =	sadd.s32 s22, s3  }
0x15: {  	[timem:s7], [sflag:s23] =	dma.local [hbm:s5], s21  }
0x16: {  	_ =	swait.ge [sflag:s23], s21  }
0x17: {  	s4 =	ssub.s32 $0x0, s21;
	[sflag:s23] =	ssyncset.done $0x0  }
0x18: {  	[sflag:s23] =	ssyncadd.s32 s4;
	_ =	sdelay $0x1  }
0x19: {  	s24 =	simm.s32 $0x1B8B  }
0x1a: {  	_ =	swait.ge [sflag:s24], $0x1  }
0x1b: {  	[sflag:s24] =	ssyncset.done $0x0  }
0x1c: {  	s26 =	simm.s32 $0x1B8E;
	s25 =	sld [smem:$0x3FFE];
	[sflag:s24] =	ssyncadd.s32 $0xFFFFFFFF  }
0x1d: {  	s27 =	simm.s32 $execute0_lowered;
	[smem:$0x3FD2] =	sst s26  }
0x1e: {  	s5 =	sshll.u32 s27, $0x1;
	_ =	strace $0x80000046;
	[dreg:$0x1] =	wrdreg $0xFFFFFFFF  }
0x1f: {  	s28 =	simm.s32 $_size_execute0_lowered;
	s3 =	sadd.s32 s3, s5;
	[dreg:$0x0] =	wrdreg $0x0  }
0x20: {  	s5 =	sshll.u32 s28, $0x1;
	[dreg:$0x2] =	wrdreg s3  }
0x21: {  	[dreg:$0x3] =	wrdreg s5  }
0x22: {  	[dreg:$0x4] =	wrdreg $0xC0  }
0x23: {  	_ =	task [dreg:s7], $0x5FFFF  }
0x24: {  	[dreg:$0x1] =	wrdreg $0xFFFFFFFF  }
0x25: {  	[dreg:$0x0] =	wrdreg $0x60  }
0x26: {  	[dreg:$0x2] =	wrdreg s25  }
0x27: {  	[dreg:$0x3] =	wrdreg s2  }
0x28: {  	[dreg:$0x4] =	wrdreg $0x9  }
0x29: {  	_ =	task.clear_ibuf [dreg:s7], $0x5FFFF;
	_ =	strace $0x90000046  }
0x2a: {  	s29 =	simm.s32 $0x9;
	_ =	strace $0x80000048  }
0x2b: {  	_ =	swait.ge [sflag:s29], $0x1  }
0x2c: {  	[sflag:s29] =	ssyncadd.s32 $0xFFFFFFFF  }
0x2d: {  	_ =	strace $0x90000048  }
0x2e: {  	_ =	sfence  }
0x2f: {  	s30 =	sld [smem:$0x0];
	_ =	sdelay $0x2  }
0x30: {  	s31 =	sshll.u32 s1, $0xD;
	s1 =	sshrl.u32 s1, $0x2  }
0x31: {  	s3 =	sand.u32 $0x4000, s31;
	s1 =	sadd.s32 s1, s30  }
0x32: {  	s0 =	sor.u32 s3, s0;
	s1 =	sshll.u32 s1, $0x11  }
0x33: {  	s0 =	sor.u32 s1, s0  }
0x34: {  	s0 =	sadd.s32 $0x8F2B, s0  }
0x35: {  	[sflag:s0] =	ssyncadd.remote.s32 $0x1  }
0x36: {  	_ =	sfence.sel $0xFFFF  }
0x37: {  	[dreg:$0x0] =	wrdreg $0xFFFFFFFF;
	(pc) =	sbr.abs _section_cstart, $3  }
0x38: {  	[dreg:$0x1] =	wrdreg $0xFFFFFFFF  }
0x39: {  	_ =	task.clear_ibuf [dreg:s7], $0x2FFFF;
	_ =	strace $0x9FFFFFFF  }
0x3a: {  	(tm) =	ssettm $0x7FFFFFFF  }
0x3b: {  	_ =	shalt  }
tec
execute0_lowered:
.L_overlay_start_1:
0x0: {  	(tag) =	ssettag $0x1  }
0x1: {  	s9 =	rddreg [dreg:$0x0]  }
0x2: {  	s1 =	rddreg [dreg:$0x1];
	s0 =	stileid.u32  }
0x3: {  	s4 =	srdreg.scid;
	s31 =	simm.s32 $0x2;
	s16 =	simm.s32 $0x0  }
0x4: {  	s11 =	simm.s32 $0x8000;
	s17 =	simm.s32 $0x0;
	s18 =	simm.s32 $0x0  }
0x5: {  	s15 =	simm.s32 $0x0;
	s2 =	sand.u32 $0x1, s0;
	s3 =	sand.u32 $0xE, s0  }
0x6: {  	s4 =	sshll.u32 s4, $0x7;
	s5 =	ssub.s32 $0x2, s2;
	s6 =	ssub.s32 $0x10, s3  }
0x7: {  	s4 =	sand.u32 $0x80, s4;
	s13 =	smov.u32 s3;
	s8 =	sand.u32 $0xE, s6  }
0x8: {  	s7 =	sshrl.u32 s5, $0x1;
	p0 =	sne.s32 s8, $0x0;
	s8 =	simm.s32 $0x1  }
0x9: {  	s5 =	sand.u32 $0x1, s5;
	s6 =	sshrl.u32 s6, $0x4;
	s8 =	simm.s32 @!p0 $0x0  }
0xa: {  	s10 =	ssub.s32 $0x1000, s4;
	s5 =	sadd.s32 s5, s7;
	s6 =	sadd.s32 s8, s6  }
0xb: {  	s14 =	smov.u32 s2;
	s28 =	sshrl.u32 s10, $0x7;
	s30 =	smul.u32 s5, s6  }
.Ltmp0:
0xc: {  	s29 =	sshrl.u32 s10, $0x8;
	s7 =	sand.u32 $0x1, s28;
	(pc) =	sbr.rel .LBB1_1-.Ltmp0, $4  }
0xd: {  	s12 =	smov.u32 s4;
	s7 =	sadd.s32 s29, s7;
	s5 =	rddreg [dreg:$0x2]  }
0xe: {  	_ =	strace $0x80000047;
	s6 =	simm.s32 $0x1;
	s7 =	smul.u32 s7, s30  }
0xf: {  	p0 =	por $0x0, $0x0;
	s8 =	sadd.s32 $0x600800, s9;
	[sflag:s6] =	ssyncpa.u1 $0x0  }
0x10: {  	s9 =	sadd.s32 $0x610800, s9;
	[sflag:s31] =	ssyncpa.u1 $0x0;
	s10 =	sadd.s32 $0x1, s7  }
.LBB1_7:
0x11: {  	s19 =	sadd.s32 $0x100, s12  }
0x12: {  	s16 =	sadd.s32 $0x10, s13;
	s20 =	smov.u32 s13;
	p2 =	sgt.s32 s19, $0xFFF  }
0x13: {  	s20 =	smov.u32 @p2 s16  }
0x14: {  	s22 =	smov.u32 s14;
	s16 =	sadd.s32 $0x2, s14;
	p3 =	sgt.s32 s20, $0xF  }
0x15: {  	s22 =	smov.u32 @p3 s16  }
0x16: {  	s19 =	smov.u32 @p2 s4;
	p2 =	sgt.s32 s22, $0x1  }
0x17: {  	p1 =	slt.u32 s15, $0x2;
	s22 =	smov.u32 @p2 s2;
	p2 =	sne.s32 s15, s10  }
.Ltmp1:
0x18: {  	s21 =	simm.s32 @!p1 $0x2;
	(pc) =	sbr.rel @!p2 .LBB1_8-.Ltmp1, $4  }
0x19: {  	s17 =	smov.u32 s13;
	s18 =	smov.u32 s14;
	_ =	swait.ge @!p1 [sflag:s21], $0x4000  }
0x1a: {  	p0 =	por !p0, !p0;
	[sflag:s21] =	ssyncset.done @!p1 $0x0;
	s20 =	smov.u32 @p3 s3  }
0x1b: {  	s16 =	smov.u32 s12;
	[sflag:s21] =	ssyncadd.s32 @!p1 $0xFFFFC000;
	s12 =	smov.u32 s19  }
0x1c: {  	s13 =	smov.u32 s20;
	s15 =	sadd.s32 $0x1, s15;
	s14 =	smov.u32 s22  }
.LBB1_1:
0x1d: {  	p1 =	sge.u32 s15, s7  }
0x1e: {  	s19 =	sxor.u32 @!p1 $0xFFFFFFFF, s15;
	s20 =	sshll.u32 @!p1 s14, $0x14  }
0x1f: {  	s21 =	sshll.u32 @!p1 s13, $0x10;
	s23 =	sshll.u32 @!p1 s12, $0x4;
	s24 =	simm.s32 @!p1 $0x40  }
0x20: {  	s25 =	simm.s32 @!p1 $0x80;
	s19 =	sshll.u32 @!p1 s19, $0xE;
	s22 =	sadd.s32 @!p1 s20, s21  }
0x21: {  	s23 =	sand.u32 @!p1 $0xFFF0, s23;
	s20 =	sadd.s32 @!p1 s20, s9;
	s22 =	sadd.s32 @!p1 s8, s22  }
0x22: {  	s19 =	sand.u32 @!p1 $0x4000, s19;
	s20 =	sadd.s32 @!p1 s21, s20;
	s22 =	sadd.s32 @!p1 s23, s22  }
0x23: {  	[tilespmem:s19], [sflag:$0x1] =	stream.strided.gather @!p1 [hbm4b:s22+s24], $0x2000, s25, s24, $0x38;
	[tilespmem:$0x10100] =	vst v63  }
0x24: {  	s31 =	sadd.s32 $0xFFFFFFFF, s15;
	s20 =	sadd.s32 @!p1 s23, s20;
	s19 =	sor.u32 @!p1 $0x2000, s19  }
0x25: {  	[tilespmem:s19], [sflag:$0x1] =	stream.strided.gather @!p1 [hbm4b:s20+s24], $0x2000, s25, s24, $0x38;
	[tilespmem:$0x10100] =	vst v63  }
0x26: {  	p1 =	sge.u32 s31, s7  }
.Ltmp2:
0x27: {  	_ = 	snop;
	(pc) =	sbr.rel @p1 .LBB1_7-.Ltmp2, $1  }
0x28: {  	_ =	sdelay $0x3  }
0x29: {  	s19 =	simm.s32 $0x1;
	s21 =	sand.u32 $0x1, s15  }
0x2a: {  	_ =	swait.ge [sflag:s6], $0x4000;
	s19 =	simm.s32 @!p0 $0x0;
	s21 =	smul.u32 $0x10200, s21  }
0x2b: {  	p2 =	por $0x1, $0x1;
	[sflag:s6] =	ssyncset.done $0x0;
	s20 =	smul.u32 $0x10200, s19  }
0x2c: {  	s22 =	sshll.u32 s19, $0x10;
	[sflag:s6] =	ssyncadd.s32 $0xFFFFC000;
	s30 =	sshrl.u32 s21, $0x2  }
0x2d: {  	s31 =	sshrl.u32 s22, $0x2;
	s22 =	simm.s32 $0x0;
	s20 =	sshrl.u32 s20, $0x2  }
0x2e: {  	s19 =	sor.u32 $0x8000, s30;
	s21 =	sadd.s32 $0x20, s31;
	s20 =	sor.u32 $0x8000, s20  }
.LBB1_3:
0x2f: {  	s23 =	sshll.u32 s22, $0xD  }
0x30: {  	s23 =	sand.u32 $0x3FFFE000, s23  }
0x31: {  	s25 =	sadd.s32 s23, s21  }
0x32: {  	s31 =	smul.u32 $0x8100, s22;
	v3 =	vld [tilespmem:s25+$0x10]  }
0x33: {  	v1 =	vld [tilespmem:s25+$0xFFFFFFF0]  }
0x34: {  	s22 =	sshra.s32 s31, $0x2;
	v0 =	vld [tilespmem:s25+$0x0]  }
0x35: {  	s22 =	sadd.s32 s22, s20;
	v2 =	vld [tilespmem:s25+$0xFFFFFFE0]  }
0x36: {  	s23 =	sadd.s32 $0x0, s22  }
0x37: {  	p1 =	por p2, p2;
	s24 =	simm.s32 $0x4;
	s25 =	sadd.s32 $0x40, s25;
	[tilespmem:s23+$0x1830 ss:$0x81] =	vst.msk $0xffff, v3  }
.LBB1_4:
0x38: {  	v3 =	vld [tilespmem:s25+$0x10];
	p2 =	sne.s32 s24, $0x1FC;
	[tilespmem:s23+$0x810 ss:$0x81] =	vst.msk $0xffff, v1;
	s26 =	smov.u32 s24;
	s24 =	sadd.s32 $0x4, s24  }
.Ltmp3:
0x39: {  	v1 =	vld [tilespmem:s25+$0xFFFFFFF0];
	[tilespmem:s23+$0x1020 ss:$0x81] =	vst.msk $0xffff, v0;
	(pc) =	sbr.rel @p2 .LBB1_4-.Ltmp3, $4  }
0x3a: {  	v0 =	vld [tilespmem:s25+$0x0];
	[tilespmem:s23+$0x0 ss:$0x81] =	vst.msk $0xffff, v2  }
0x3b: {  	s23 =	sshra.s32 s26, $0x2;
	v2 =	vld [tilespmem:s25+$0xFFFFFFE0]  }
0x3c: {  	s23 =	sadd.s32 s23, s22  }
0x3d: {  	s25 =	sadd.s32 $0x40, s25;
	[tilespmem:s23+$0x1830 ss:$0x81] =	vst.msk $0xffff, v3  }
.Ltmp4:
0x3e: {  	(pc) =	sbr.rel @p1 .LBB1_3-.Ltmp4, $4  }
0x3f: {  	_ = 	snop  }
0x40: {  	[tilespmem:s23+$0x810 ss:$0x81] =	vst.msk $0xffff, v1  }
0x41: {  	[tilespmem:s23+$0x1020 ss:$0x81] =	vst.msk $0xffff, v0  }
0x42: {  	s22 =	simm.s32 $0x1;
	p2 =	por $0x0, $0x0;
	[tilespmem:s23+$0x0 ss:$0x81] =	vst.msk $0xffff, v2  }
0x43: {  	s20 =	sshll.u32 s16, $0x3;
	s21 =	sand.u32 $0x78, s16  }
0x44: {  	s18 =	sshll.u32 s18, $0x13;
	s17 =	sshll.u32 s17, $0xF;
	s29 =	sand.u32 $0x7E00, s16  }
.Ltmp5:
0x45: {  	s20 =	sand.u32 $0xC00, s20;
	s18 =	sadd.s32 s1, s18;
	(pc) =	sbr.rel .LBB1_7-.Ltmp5, $4  }
0x46: {  	s30 =	sand.u32 $0x7, s16;
	s20 =	sor.u32 s21, s20;
	s17 =	sadd.s32 s17, s18  }
0x47: {  	s16 =	sshll.u32 s30, $0x12;
	s31 =	sshrl.u32 s20, $0x3;
	s17 =	sadd.s32 s29, s17  }
0x48: {  	s16 =	sor.u32 $0x400, s16;
	s17 =	sadd.s32 s31, s17  }
0x49: {  	[hbm4b:s17+s16] =	stream.strided.scatter [tilespmem:s19], [sflag:$0x2], $0x4000, s11, s16, $0x20;
	[tilespmem:$0x10100] =	vst v63  }
.LBB1_8:
0x4a: {  	_ =	sfence.sel $0x180000  }
0x4b: {  	s1 =	simm.s32 $0x1;
	[bflag:$0x0] =	sbarrier.arrive $0xFFFF  }
0x4c: {  	s31 =	simm.s32 $0x2;
	[sflag:s1] =	ssyncpa.u1 $0x1  }
0x4d: {  	[sflag:s31] =	ssyncpa.u1 $0x1  }
0x4e: {  	p0 =	sne.s32 s0, $0x0;
	_ =	strace $0x90000047  }
0x4f: {  	s0 =	sadd.s32 @!p0 $0x100000, s5;
	[bflag:$0x2] =	sbarrier.arrive $0xFFFF  }
0x50: {  	[sflag:s0] =	ssyncadd.tile.s32 @!p0 $0x1;
	_ =	shalt  }
.Lfunc_end1:
_tile_overlayer_lowered:
.L_overlay_start_2:
0x51: {  	(tag) =	ssettag $0x2  }
0x52: {  	s0 =	rddreg [dreg:$0x0];
	s2 =	stileid.u32  }
0x53: {  	s1 =	rddreg [dreg:$0x1];
	p0 =	sne.s32 s2, $0x0  }
0x54: {  	s3 =	rddreg [dreg:$0x2];
	[bflag:$0x3] =	sbarrier.arrive $0xFFFF;
	s2 =	simm.s32 @!p0 $0x1C01  }
0x55: {  	[timem:s3], [sflag:s2] =	dma.local @!p0 [hbm:s0], s1  }
0x56: {  	s0 =	simm.s32 @!p0 $0x1  }
0x57: {  	_ =	swait.ge @!p0 [sflag:s0], s1  }
0x58: {  	s1 =	ssub.s32 @!p0 $0x0, s1;
	[sflag:s0] =	ssyncset.done @!p0 $0x0  }
0x59: {  	[sflag:s0] =	ssyncadd.s32 @!p0 s1  }
0x5a: {  	[bflag:$0x3] =	sbarrier.arrive $0xFFFF  }
0x5b: {  	_ =	shalt  }

</sc_bundles>
